<compile_context>
chip_gen: v7x
topology: tpu7x:2x2x1
jax: 0.10.2.dev20260603
libtpu: 0.0.44.dev20260713+nightly
codegen_flags: <defaults>
</compile_context>

<pallas_src>
import functools

import jax
import jax.numpy as jnp
from jax import lax
from jax.experimental import pallas as pl
from jax.experimental.pallas import tpu as pltpu
from jax.experimental.pallas import tpu_sc as plsc

VOCAB = 1000000
DIM = 16
BATCH = 16384
_CW = 128
_CHUNKS = None


def _make_sc_kernel():
    global _CHUNKS
    info = plsc.get_sparse_core_info()
    num_cores, num_subcores = info.num_cores, info.num_subcores
    nw = num_cores * num_subcores
    assert BATCH % nw == 0
    bpw = BATCH // nw
    assert bpw % _CW == 0
    _CHUNKS = bpw // _CW

    mesh = plsc.VectorSubcoreMesh(core_axis_name="c", subcore_axis_name="s")

    @functools.partial(
        pl.kernel,
        mesh=mesh,
        compiler_params=pltpu.CompilerParams(use_tc_tiling_on_sc=False),
        out_type=(
            jax.ShapeDtypeStruct((BATCH, DIM), jnp.float32),
            jax.ShapeDtypeStruct((BATCH, DIM), jnp.float32),
        ),
        scratch_types=[
            pltpu.VMEM((_CHUNKS, _CW), jnp.int32),
            pltpu.VMEM((bpw, DIM), jnp.float32),
            pltpu.VMEM((bpw, DIM), jnp.float32),
            pltpu.SemaphoreType.DMA,
            pltpu.SemaphoreType.DMA,
        ],
    )
    def sc_kernel(idx_hbm, real_hbm, imag_hbm, out_r_hbm, out_i_hbm,
                  idx_v, r_v, i_v, sem_r, sem_i):
        wid = lax.axis_index("s") * num_cores + lax.axis_index("c")
        base = wid * bpw

        for j in range(_CHUNKS):
            pltpu.sync_copy(idx_hbm.at[pl.ds(base + j * _CW, _CW)], idx_v.at[j])
        copies = []
        for j in range(_CHUNKS):
            copies.append(pltpu.async_copy(
                real_hbm.at[idx_v.at[j]], r_v.at[pl.ds(j * _CW, _CW)], sem_r))
            copies.append(pltpu.async_copy(
                imag_hbm.at[idx_v.at[j]], i_v.at[pl.ds(j * _CW, _CW)], sem_i))
        for cp in copies:
            cp.wait()

        pltpu.sync_copy(r_v, out_r_hbm.at[pl.ds(base, bpw)])
        pltpu.sync_copy(i_v, out_i_hbm.at[pl.ds(base, bpw)])

    return sc_kernel


_SC_KERNEL = _make_sc_kernel()

_TC_BLOCK = 2048


def _interleave_body(r_ref, i_ref, o_ref):
    blk = r_ref.shape[0]
    o_ref[...] = jnp.stack(
        [r_ref[...], i_ref[...]], axis=-1).reshape(blk, 2 * DIM)


def _tc_interleave(out_r, out_i):
    return pl.pallas_call(
        _interleave_body,
        grid=(BATCH // _TC_BLOCK,),
        in_specs=[
            pl.BlockSpec((_TC_BLOCK, DIM), lambda b: (b, 0)),
            pl.BlockSpec((_TC_BLOCK, DIM), lambda b: (b, 0)),
        ],
        out_specs=pl.BlockSpec((_TC_BLOCK, 2 * DIM), lambda b: (b, 0)),
        out_shape=jax.ShapeDtypeStruct((BATCH, 2 * DIM), jnp.float32),
    )(out_r, out_i)


def kernel(index, csi_real, csi_imag):
    out_r, out_i = _SC_KERNEL(index.astype(jnp.int32), csi_real, csi_imag)
    return _tc_interleave(out_r, out_i).reshape(BATCH, DIM, 2)

# --- scband reference (transcript-rebuilt; emitter-appended) ---
"""Pipeline reference for scband-csiprovider-layer-27384711480192 (READ-ONLY COPY).

The authoritative reference and input builder live on the scoring server;
editing this copy changes nothing except your own understanding.
"""

import jax, jax.numpy as jnp
import numpy as np

VOCAB = 1000000
DIM = 16
BATCH = 16384

def setup_inputs(seed: int = 0) -> dict:
    key = jax.random.key(seed)
    k1, k2, k3 = jax.random.split(key, 3)
    index = jax.random.randint(k1, (BATCH,), 0, VOCAB, dtype=jnp.int64 if jax.config.jax_enable_x64 else jnp.int32)
    csi_real = jax.random.normal(k2, (VOCAB, DIM), dtype=jnp.float32)
    csi_imag = jax.random.normal(k3, (VOCAB, DIM), dtype=jnp.float32)
    return {"index": index, "csi_real": csi_real, "csi_imag": csi_imag}

def reference(index, csi_real, csi_imag):
    # Faithful translation of CSIProviderLayer.call:
    #   csi_cplx = tf.gather(self.csi, index)
    #   return tf.stack([tf.math.real(csi_cplx), tf.math.imag(csi_cplx)], axis=-1)
    csi = jax.lax.complex(csi_real, csi_imag)
    csi_cplx = jnp.take(csi, index, axis=0)
    return jnp.stack([jnp.real(csi_cplx), jnp.imag(csi_cplx)], axis=-1)

if __name__ == "__main__":
    import jax
    _d = setup_inputs()
    print(jax.jit(kernel)(*tuple(_d.values())))

</pallas_src>

<mosaic_0001>
#map = affine_map<(d0, d1) -> (0)>
#map1 = affine_map<(d0, d1) -> (0, 0)>
module attributes {stable_mosaic.version = 14 : i64} {
  func.func @sc_kernel(%arg0: i32, %arg1: i32, %arg2: memref<16384xi32, #tpu.memory_space<hbm>>, %arg3: memref<1000000x16xf32, #tpu.memory_space<hbm>>, %arg4: memref<1000000x16xf32, #tpu.memory_space<hbm>>, %arg5: memref<16384x16xf32, #tpu.memory_space<hbm>>, %arg6: memref<16384x16xf32, #tpu.memory_space<hbm>>, %arg7: memref<4x128xi32, #tpu.memory_space<vmem>>, %arg8: memref<512x16xf32, #tpu.memory_space<vmem>>, %arg9: memref<512x16xf32, #tpu.memory_space<vmem>>, %arg10: memref<!tpu.dma_semaphore, #tpu.memory_space<semaphore_mem>>, %arg11: memref<!tpu.dma_semaphore, #tpu.memory_space<semaphore_mem>>) attributes {dimension_semantics = [#tpu.dimension_semantics<core_parallel>, #tpu.dimension_semantics<subcore_parallel>], iteration_bounds = array<i64: 2, 16>, scalar_prefetch = 0 : i64, scratch_operands = 5 : i64, tpu.core_type = #tpu.core_type<sc_vector_subcore>, window_params = [{transform_indices = #map}, {transform_indices = #map1}, {transform_indices = #map1}, {transform_indices = #map1}, {transform_indices = #map1}]} {
    %mul3A = arith.constant 2 : i32
    %mul3A_0 = arith.muli %arg1, %mul3A : i32
    %add3A = arith.addi %mul3A_0, %arg0 : i32
    %mul3A_1 = arith.constant 512 : i32
    %mul3A_2 = arith.muli %add3A, %mul3A_1 : i32
    %add3A_3 = arith.constant 0 : i32
    %add3A_4 = arith.addi %mul3A_2, %add3A_3 : i32
    %run_scoped3A = arith.constant 0 : i32
    "tpu.region"() ({
      %run_scoped3A_172 = tpu.sem_alloc : memref<!tpu.dma_semaphore, #tpu.memory_space<semaphore_mem>>
      %dma_start3A_173 = arith.constant 0 : i32
      %dma_start3A_174 = tpu.memref_slice %arg7[%run_scoped3A, %dma_start3A_173] : memref<4x128xi32, #tpu.memory_space<vmem>> -> memref<1x128xi32, #tpu.memory_space<vmem>>
      %dma_start3A_175 = tpu.memref_squeeze %dma_start3A_174 : memref<1x128xi32, #tpu.memory_space<vmem>> -> memref<128xi32, #tpu.memory_space<vmem>>
      %dma_start3A_176 = tpu.memref_slice %arg2[%add3A_4] : memref<16384xi32, #tpu.memory_space<hbm>> -> memref<128xi32, #tpu.memory_space<hbm>>
      %dma_start3A_177 = arith.constant 0 : i32
      %dma_start3A_178 = tpu.memref_slice %arg7[%run_scoped3A, %dma_start3A_177] : memref<4x128xi32, #tpu.memory_space<vmem>> -> memref<1x128xi32, #tpu.memory_space<vmem>>
      %dma_start3A_179 = tpu.memref_squeeze %dma_start3A_178 : memref<1x128xi32, #tpu.memory_space<vmem>> -> memref<128xi32, #tpu.memory_space<vmem>>
      %dma_start3A_180 = tpu.memref_slice %arg2[%add3A_4] : memref<16384xi32, #tpu.memory_space<hbm>> -> memref<128xi32, #tpu.memory_space<hbm>>
      tpu.enqueue_dma source(%dma_start3A_180 : memref<128xi32, #tpu.memory_space<hbm>>) target(%dma_start3A_179 : memref<128xi32, #tpu.memory_space<vmem>>) target_semaphore(%run_scoped3A_172 : memref<!tpu.dma_semaphore, #tpu.memory_space<semaphore_mem>>)
      %dma_wait3A_181 = arith.constant 0 : i32
      %dma_wait3A_182 = tpu.memref_slice %arg7[%run_scoped3A, %dma_wait3A_181] : memref<4x128xi32, #tpu.memory_space<vmem>> -> memref<1x128xi32, #tpu.memory_space<vmem>>
      %dma_wait3A_183 = tpu.memref_squeeze %dma_wait3A_182 : memref<1x128xi32, #tpu.memory_space<vmem>> -> memref<128xi32, #tpu.memory_space<vmem>>
      %dma_wait3A_184 = tpu.memref_slice %arg2[%add3A_4] : memref<16384xi32, #tpu.memory_space<hbm>> -> memref<128xi32, #tpu.memory_space<hbm>>
      %dma_wait3A_185 = arith.constant 0 : i32
      %dma_wait3A_186 = tpu.memref_slice %arg7[%run_scoped3A, %dma_wait3A_185] : memref<4x128xi32, #tpu.memory_space<vmem>> -> memref<1x128xi32, #tpu.memory_space<vmem>>
      %dma_wait3A_187 = tpu.memref_squeeze %dma_wait3A_186 : memref<1x128xi32, #tpu.memory_space<vmem>> -> memref<128xi32, #tpu.memory_space<vmem>>
      %dma_wait3A_188 = tpu.memref_slice %arg2[%add3A_4] : memref<16384xi32, #tpu.memory_space<hbm>> -> memref<128xi32, #tpu.memory_space<hbm>>
      tpu.wait_dma2 semaphore(%run_scoped3A_172 : memref<!tpu.dma_semaphore, #tpu.memory_space<semaphore_mem>>) src(%dma_wait3A_188 : memref<128xi32, #tpu.memory_space<hbm>>) dst(%dma_wait3A_187 : memref<128xi32, #tpu.memory_space<vmem>>)
      tpu.yield
    }) : () -> ()
    %add3A_5 = arith.constant 128 : i32
    %add3A_6 = arith.addi %mul3A_2, %add3A_5 : i32
    %run_scoped3A_7 = arith.constant 1 : i32
    "tpu.region"() ({
      %run_scoped3A_172 = tpu.sem_alloc : memref<!tpu.dma_semaphore, #tpu.memory_space<semaphore_mem>>
      %dma_start3A_173 = arith.constant 0 : i32
      %dma_start3A_174 = tpu.memref_slice %arg7[%run_scoped3A_7, %dma_start3A_173] : memref<4x128xi32, #tpu.memory_space<vmem>> -> memref<1x128xi32, #tpu.memory_space<vmem>>
      %dma_start3A_175 = tpu.memref_squeeze %dma_start3A_174 : memref<1x128xi32, #tpu.memory_space<vmem>> -> memref<128xi32, #tpu.memory_space<vmem>>
      %dma_start3A_176 = tpu.memref_slice %arg2[%add3A_6] : memref<16384xi32, #tpu.memory_space<hbm>> -> memref<128xi32, #tpu.memory_space<hbm>>
      %dma_start3A_177 = arith.constant 0 : i32
      %dma_start3A_178 = tpu.memref_slice %arg7[%run_scoped3A_7, %dma_start3A_177] : memref<4x128xi32, #tpu.memory_space<vmem>> -> memref<1x128xi32, #tpu.memory_space<vmem>>
      %dma_start3A_179 = tpu.memref_squeeze %dma_start3A_178 : memref<1x128xi32, #tpu.memory_space<vmem>> -> memref<128xi32, #tpu.memory_space<vmem>>
      %dma_start3A_180 = tpu.memref_slice %arg2[%add3A_6] : memref<16384xi32, #tpu.memory_space<hbm>> -> memref<128xi32, #tpu.memory_space<hbm>>
      tpu.enqueue_dma source(%dma_start3A_180 : memref<128xi32, #tpu.memory_space<hbm>>) target(%dma_start3A_179 : memref<128xi32, #tpu.memory_space<vmem>>) target_semaphore(%run_scoped3A_172 : memref<!tpu.dma_semaphore, #tpu.memory_space<semaphore_mem>>)
      %dma_wait3A_181 = arith.constant 0 : i32
      %dma_wait3A_182 = tpu.memref_slice %arg7[%run_scoped3A_7, %dma_wait3A_181] : memref<4x128xi32, #tpu.memory_space<vmem>> -> memref<1x128xi32, #tpu.memory_space<vmem>>
      %dma_wait3A_183 = tpu.memref_squeeze %dma_wait3A_182 : memref<1x128xi32, #tpu.memory_space<vmem>> -> memref<128xi32, #tpu.memory_space<vmem>>
      %dma_wait3A_184 = tpu.memref_slice %arg2[%add3A_6] : memref<16384xi32, #tpu.memory_space<hbm>> -> memref<128xi32, #tpu.memory_space<hbm>>
      %dma_wait3A_185 = arith.constant 0 : i32
      %dma_wait3A_186 = tpu.memref_slice %arg7[%run_scoped3A_7, %dma_wait3A_185] : memref<4x128xi32, #tpu.memory_space<vmem>> -> memref<1x128xi32, #tpu.memory_space<vmem>>
      %dma_wait3A_187 = tpu.memref_squeeze %dma_wait3A_186 : memref<1x128xi32, #tpu.memory_space<vmem>> -> memref<128xi32, #tpu.memory_space<vmem>>
      %dma_wait3A_188 = tpu.memref_slice %arg2[%add3A_6] : memref<16384xi32, #tpu.memory_space<hbm>> -> memref<128xi32, #tpu.memory_space<hbm>>
      tpu.wait_dma2 semaphore(%run_scoped3A_172 : memref<!tpu.dma_semaphore, #tpu.memory_space<semaphore_mem>>) src(%dma_wait3A_188 : memref<128xi32, #tpu.memory_space<hbm>>) dst(%dma_wait3A_187 : memref<128xi32, #tpu.memory_space<vmem>>)
      tpu.yield
    }) : () -> ()
    %add3A_8 = arith.constant 256 : i32
    %add3A_9 = arith.addi %mul3A_2, %add3A_8 : i32
    %run_scoped3A_10 = arith.constant 2 : i32
    "tpu.region"() ({
      %run_scoped3A_172 = tpu.sem_alloc : memref<!tpu.dma_semaphore, #tpu.memory_space<semaphore_mem>>
      %dma_start3A_173 = arith.constant 0 : i32
      %dma_start3A_174 = tpu.memref_slice %arg7[%run_scoped3A_10, %dma_start3A_173] : memref<4x128xi32, #tpu.memory_space<vmem>> -> memref<1x128xi32, #tpu.memory_space<vmem>>
      %dma_start3A_175 = tpu.memref_squeeze %dma_start3A_174 : memref<1x128xi32, #tpu.memory_space<vmem>> -> memref<128xi32, #tpu.memory_space<vmem>>
      %dma_start3A_176 = tpu.memref_slice %arg2[%add3A_9] : memref<16384xi32, #tpu.memory_space<hbm>> -> memref<128xi32, #tpu.memory_space<hbm>>
      %dma_start3A_177 = arith.constant 0 : i32
      %dma_start3A_178 = tpu.memref_slice %arg7[%run_scoped3A_10, %dma_start3A_177] : memref<4x128xi32, #tpu.memory_space<vmem>> -> memref<1x128xi32, #tpu.memory_space<vmem>>
      %dma_start3A_179 = tpu.memref_squeeze %dma_start3A_178 : memref<1x128xi32, #tpu.memory_space<vmem>> -> memref<128xi32, #tpu.memory_space<vmem>>
      %dma_start3A_180 = tpu.memref_slice %arg2[%add3A_9] : memref<16384xi32, #tpu.memory_space<hbm>> -> memref<128xi32, #tpu.memory_space<hbm>>
      tpu.enqueue_dma source(%dma_start3A_180 : memref<128xi32, #tpu.memory_space<hbm>>) target(%dma_start3A_179 : memref<128xi32, #tpu.memory_space<vmem>>) target_semaphore(%run_scoped3A_172 : memref<!tpu.dma_semaphore, #tpu.memory_space<semaphore_mem>>)
      %dma_wait3A_181 = arith.constant 0 : i32
      %dma_wait3A_182 = tpu.memref_slice %arg7[%run_scoped3A_10, %dma_wait3A_181] : memref<4x128xi32, #tpu.memory_space<vmem>> -> memref<1x128xi32, #tpu.memory_space<vmem>>
      %dma_wait3A_183 = tpu.memref_squeeze %dma_wait3A_182 : memref<1x128xi32, #tpu.memory_space<vmem>> -> memref<128xi32, #tpu.memory_space<vmem>>
      %dma_wait3A_184 = tpu.memref_slice %arg2[%add3A_9] : memref<16384xi32, #tpu.memory_space<hbm>> -> memref<128xi32, #tpu.memory_space<hbm>>
      %dma_wait3A_185 = arith.constant 0 : i32
      %dma_wait3A_186 = tpu.memref_slice %arg7[%run_scoped3A_10, %dma_wait3A_185] : memref<4x128xi32, #tpu.memory_space<vmem>> -> memref<1x128xi32, #tpu.memory_space<vmem>>
      %dma_wait3A_187 = tpu.memref_squeeze %dma_wait3A_186 : memref<1x128xi32, #tpu.memory_space<vmem>> -> memref<128xi32, #tpu.memory_space<vmem>>
      %dma_wait3A_188 = tpu.memref_slice %arg2[%add3A_9] : memref<16384xi32, #tpu.memory_space<hbm>> -> memref<128xi32, #tpu.memory_space<hbm>>
      tpu.wait_dma2 semaphore(%run_scoped3A_172 : memref<!tpu.dma_semaphore, #tpu.memory_space<semaphore_mem>>) src(%dma_wait3A_188 : memref<128xi32, #tpu.memory_space<hbm>>) dst(%dma_wait3A_187 : memref<128xi32, #tpu.memory_space<vmem>>)
      tpu.yield
    }) : () -> ()
    %add3A_11 = arith.constant 384 : i32
    %add3A_12 = arith.addi %mul3A_2, %add3A_11 : i32
    %run_scoped3A_13 = arith.constant 3 : i32
    "tpu.region"() ({
      %run_scoped3A_172 = tpu.sem_alloc : memref<!tpu.dma_semaphore, #tpu.memory_space<semaphore_mem>>
      %dma_start3A_173 = arith.constant 0 : i32
      %dma_start3A_174 = tpu.memref_slice %arg7[%run_scoped3A_13, %dma_start3A_173] : memref<4x128xi32, #tpu.memory_space<vmem>> -> memref<1x128xi32, #tpu.memory_space<vmem>>
      %dma_start3A_175 = tpu.memref_squeeze %dma_start3A_174 : memref<1x128xi32, #tpu.memory_space<vmem>> -> memref<128xi32, #tpu.memory_space<vmem>>
      %dma_start3A_176 = tpu.memref_slice %arg2[%add3A_12] : memref<16384xi32, #tpu.memory_space<hbm>> -> memref<128xi32, #tpu.memory_space<hbm>>
      %dma_start3A_177 = arith.constant 0 : i32
      %dma_start3A_178 = tpu.memref_slice %arg7[%run_scoped3A_13, %dma_start3A_177] : memref<4x128xi32, #tpu.memory_space<vmem>> -> memref<1x128xi32, #tpu.memory_space<vmem>>
      %dma_start3A_179 = tpu.memref_squeeze %dma_start3A_178 : memref<1x128xi32, #tpu.memory_space<vmem>> -> memref<128xi32, #tpu.memory_space<vmem>>
      %dma_start3A_180 = tpu.memref_slice %arg2[%add3A_12] : memref<16384xi32, #tpu.memory_space<hbm>> -> memref<128xi32, #tpu.memory_space<hbm>>
      tpu.enqueue_dma source(%dma_start3A_180 : memref<128xi32, #tpu.memory_space<hbm>>) target(%dma_start3A_179 : memref<128xi32, #tpu.memory_space<vmem>>) target_semaphore(%run_scoped3A_172 : memref<!tpu.dma_semaphore, #tpu.memory_space<semaphore_mem>>)
      %dma_wait3A_181 = arith.constant 0 : i32
      %dma_wait3A_182 = tpu.memref_slice %arg7[%run_scoped3A_13, %dma_wait3A_181] : memref<4x128xi32, #tpu.memory_space<vmem>> -> memref<1x128xi32, #tpu.memory_space<vmem>>
      %dma_wait3A_183 = tpu.memref_squeeze %dma_wait3A_182 : memref<1x128xi32, #tpu.memory_space<vmem>> -> memref<128xi32, #tpu.memory_space<vmem>>
      %dma_wait3A_184 = tpu.memref_slice %arg2[%add3A_12] : memref<16384xi32, #tpu.memory_space<hbm>> -> memref<128xi32, #tpu.memory_space<hbm>>
      %dma_wait3A_185 = arith.constant 0 : i32
      %dma_wait3A_186 = tpu.memref_slice %arg7[%run_scoped3A_13, %dma_wait3A_185] : memref<4x128xi32, #tpu.memory_space<vmem>> -> memref<1x128xi32, #tpu.memory_space<vmem>>
      %dma_wait3A_187 = tpu.memref_squeeze %dma_wait3A_186 : memref<1x128xi32, #tpu.memory_space<vmem>> -> memref<128xi32, #tpu.memory_space<vmem>>
      %dma_wait3A_188 = tpu.memref_slice %arg2[%add3A_12] : memref<16384xi32, #tpu.memory_space<hbm>> -> memref<128xi32, #tpu.memory_space<hbm>>
      tpu.wait_dma2 semaphore(%run_scoped3A_172 : memref<!tpu.dma_semaphore, #tpu.memory_space<semaphore_mem>>) src(%dma_wait3A_188 : memref<128xi32, #tpu.memory_space<hbm>>) dst(%dma_wait3A_187 : memref<128xi32, #tpu.memory_space<vmem>>)
      tpu.yield
    }) : () -> ()
    %dma_start3A = arith.constant 0 : i32
    %dma_start3A_14 = arith.constant 0 : i32
    %dma_start3A_15 = arith.constant 0 : i32
    %dma_start3A_16 = tpu.memref_slice %arg8[%dma_start3A_14, %dma_start3A_15] : memref<512x16xf32, #tpu.memory_space<vmem>> -> memref<128x16xf32, #tpu.memory_space<vmem>>
    %dma_start3A_17 = arith.constant 0 : i32
    %dma_start3A_18 = tpu.memref_slice %arg7[%dma_start3A, %dma_start3A_17] : memref<4x128xi32, #tpu.memory_space<vmem>> -> memref<1x128xi32, #tpu.memory_space<vmem>>
    %dma_start3A_19 = tpu.memref_squeeze %dma_start3A_18 : memref<1x128xi32, #tpu.memory_space<vmem>> -> memref<128xi32, #tpu.memory_space<vmem>>
    %dma_start3A_20 = arith.constant 0 : i32
    %dma_start3A_21 = arith.constant 0 : i32
    %dma_start3A_22 = tpu.memref_slice %arg3[%dma_start3A_20, %dma_start3A_21] : memref<1000000x16xf32, #tpu.memory_space<hbm>> -> memref<1000000x16xf32, #tpu.memory_space<hbm>>
    tpu.enqueue_indirect_dma source(%dma_start3A_22 : memref<1000000x16xf32, #tpu.memory_space<hbm>>) target(%dma_start3A_16 : memref<128x16xf32, #tpu.memory_space<vmem>>) offsets(%dma_start3A_19 : memref<128xi32, #tpu.memory_space<vmem>>) semaphore(%arg10 : memref<!tpu.dma_semaphore, #tpu.memory_space<semaphore_mem>>)
    %dma_start3A_23 = arith.constant 0 : i32
    %dma_start3A_24 = arith.constant 0 : i32
    %dma_start3A_25 = arith.constant 0 : i32
    %dma_start3A_26 = tpu.memref_slice %arg9[%dma_start3A_24, %dma_start3A_25] : memref<512x16xf32, #tpu.memory_space<vmem>> -> memref<128x16xf32, #tpu.memory_space<vmem>>
    %dma_start3A_27 = arith.constant 0 : i32
    %dma_start3A_28 = tpu.memref_slice %arg7[%dma_start3A_23, %dma_start3A_27] : memref<4x128xi32, #tpu.memory_space<vmem>> -> memref<1x128xi32, #tpu.memory_space<vmem>>
    %dma_start3A_29 = tpu.memref_squeeze %dma_start3A_28 : memref<1x128xi32, #tpu.memory_space<vmem>> -> memref<128xi32, #tpu.memory_space<vmem>>
    %dma_start3A_30 = arith.constant 0 : i32
    %dma_start3A_31 = arith.constant 0 : i32
    %dma_start3A_32 = tpu.memref_slice %arg4[%dma_start3A_30, %dma_start3A_31] : memref<1000000x16xf32, #tpu.memory_space<hbm>> -> memref<1000000x16xf32, #tpu.memory_space<hbm>>
    tpu.enqueue_indirect_dma source(%dma_start3A_32 : memref<1000000x16xf32, #tpu.memory_space<hbm>>) target(%dma_start3A_26 : memref<128x16xf32, #tpu.memory_space<vmem>>) offsets(%dma_start3A_29 : memref<128xi32, #tpu.memory_space<vmem>>) semaphore(%arg11 : memref<!tpu.dma_semaphore, #tpu.memory_space<semaphore_mem>>)
    %dma_start3A_33 = arith.constant 1 : i32
    %dma_start3A_34 = arith.constant 128 : i32
    %dma_start3A_35 = arith.constant 0 : i32
    %dma_start3A_36 = tpu.memref_slice %arg8[%dma_start3A_34, %dma_start3A_35] : memref<512x16xf32, #tpu.memory_space<vmem>> -> memref<128x16xf32, #tpu.memory_space<vmem>>
    %dma_start3A_37 = arith.constant 0 : i32
    %dma_start3A_38 = tpu.memref_slice %arg7[%dma_start3A_33, %dma_start3A_37] : memref<4x128xi32, #tpu.memory_space<vmem>> -> memref<1x128xi32, #tpu.memory_space<vmem>>
    %dma_start3A_39 = tpu.memref_squeeze %dma_start3A_38 : memref<1x128xi32, #tpu.memory_space<vmem>> -> memref<128xi32, #tpu.memory_space<vmem>>
    %dma_start3A_40 = arith.constant 0 : i32
    %dma_start3A_41 = arith.constant 0 : i32
    %dma_start3A_42 = tpu.memref_slice %arg3[%dma_start3A_40, %dma_start3A_41] : memref<1000000x16xf32, #tpu.memory_space<hbm>> -> memref<1000000x16xf32, #tpu.memory_space<hbm>>
    tpu.enqueue_indirect_dma source(%dma_start3A_42 : memref<1000000x16xf32, #tpu.memory_space<hbm>>) target(%dma_start3A_36 : memref<128x16xf32, #tpu.memory_space<vmem>>) offsets(%dma_start3A_39 : memref<128xi32, #tpu.memory_space<vmem>>) semaphore(%arg10 : memref<!tpu.dma_semaphore, #tpu.memory_space<semaphore_mem>>)
    %dma_start3A_43 = arith.constant 1 : i32
    %dma_start3A_44 = arith.constant 128 : i32
    %dma_start3A_45 = arith.constant 0 : i32
    %dma_start3A_46 = tpu.memref_slice %arg9[%dma_start3A_44, %dma_start3A_45] : memref<512x16xf32, #tpu.memory_space<vmem>> -> memref<128x16xf32, #tpu.memory_space<vmem>>
    %dma_start3A_47 = arith.constant 0 : i32
    %dma_start3A_48 = tpu.memref_slice %arg7[%dma_start3A_43, %dma_start3A_47] : memref<4x128xi32, #tpu.memory_space<vmem>> -> memref<1x128xi32, #tpu.memory_space<vmem>>
    %dma_start3A_49 = tpu.memref_squeeze %dma_start3A_48 : memref<1x128xi32, #tpu.memory_space<vmem>> -> memref<128xi32, #tpu.memory_space<vmem>>
    %dma_start3A_50 = arith.constant 0 : i32
    %dma_start3A_51 = arith.constant 0 : i32
    %dma_start3A_52 = tpu.memref_slice %arg4[%dma_start3A_50, %dma_start3A_51] : memref<1000000x16xf32, #tpu.memory_space<hbm>> -> memref<1000000x16xf32, #tpu.memory_space<hbm>>
    tpu.enqueue_indirect_dma source(%dma_start3A_52 : memref<1000000x16xf32, #tpu.memory_space<hbm>>) target(%dma_start3A_46 : memref<128x16xf32, #tpu.memory_space<vmem>>) offsets(%dma_start3A_49 : memref<128xi32, #tpu.memory_space<vmem>>) semaphore(%arg11 : memref<!tpu.dma_semaphore, #tpu.memory_space<semaphore_mem>>)
    %dma_start3A_53 = arith.constant 2 : i32
    %dma_start3A_54 = arith.constant 256 : i32
    %dma_start3A_55 = arith.constant 0 : i32
    %dma_start3A_56 = tpu.memref_slice %arg8[%dma_start3A_54, %dma_start3A_55] : memref<512x16xf32, #tpu.memory_space<vmem>> -> memref<128x16xf32, #tpu.memory_space<vmem>>
    %dma_start3A_57 = arith.constant 0 : i32
    %dma_start3A_58 = tpu.memref_slice %arg7[%dma_start3A_53, %dma_start3A_57] : memref<4x128xi32, #tpu.memory_space<vmem>> -> memref<1x128xi32, #tpu.memory_space<vmem>>
    %dma_start3A_59 = tpu.memref_squeeze %dma_start3A_58 : memref<1x128xi32, #tpu.memory_space<vmem>> -> memref<128xi32, #tpu.memory_space<vmem>>
    %dma_start3A_60 = arith.constant 0 : i32
    %dma_start3A_61 = arith.constant 0 : i32
    %dma_start3A_62 = tpu.memref_slice %arg3[%dma_start3A_60, %dma_start3A_61] : memref<1000000x16xf32, #tpu.memory_space<hbm>> -> memref<1000000x16xf32, #tpu.memory_space<hbm>>
    tpu.enqueue_indirect_dma source(%dma_start3A_62 : memref<1000000x16xf32, #tpu.memory_space<hbm>>) target(%dma_start3A_56 : memref<128x16xf32, #tpu.memory_space<vmem>>) offsets(%dma_start3A_59 : memref<128xi32, #tpu.memory_space<vmem>>) semaphore(%arg10 : memref<!tpu.dma_semaphore, #tpu.memory_space<semaphore_mem>>)
    %dma_start3A_63 = arith.constant 2 : i32
    %dma_start3A_64 = arith.constant 256 : i32
    %dma_start3A_65 = arith.constant 0 : i32
    %dma_start3A_66 = tpu.memref_slice %arg9[%dma_start3A_64, %dma_start3A_65] : memref<512x16xf32, #tpu.memory_space<vmem>> -> memref<128x16xf32, #tpu.memory_space<vmem>>
    %dma_start3A_67 = arith.constant 0 : i32
    %dma_start3A_68 = tpu.memref_slice %arg7[%dma_start3A_63, %dma_start3A_67] : memref<4x128xi32, #tpu.memory_space<vmem>> -> memref<1x128xi32, #tpu.memory_space<vmem>>
    %dma_start3A_69 = tpu.memref_squeeze %dma_start3A_68 : memref<1x128xi32, #tpu.memory_space<vmem>> -> memref<128xi32, #tpu.memory_space<vmem>>
    %dma_start3A_70 = arith.constant 0 : i32
    %dma_start3A_71 = arith.constant 0 : i32
    %dma_start3A_72 = tpu.memref_slice %arg4[%dma_start3A_70, %dma_start3A_71] : memref<1000000x16xf32, #tpu.memory_space<hbm>> -> memref<1000000x16xf32, #tpu.memory_space<hbm>>
    tpu.enqueue_indirect_dma source(%dma_start3A_72 : memref<1000000x16xf32, #tpu.memory_space<hbm>>) target(%dma_start3A_66 : memref<128x16xf32, #tpu.memory_space<vmem>>) offsets(%dma_start3A_69 : memref<128xi32, #tpu.memory_space<vmem>>) semaphore(%arg11 : memref<!tpu.dma_semaphore, #tpu.memory_space<semaphore_mem>>)
    %dma_start3A_73 = arith.constant 3 : i32
    %dma_start3A_74 = arith.constant 384 : i32
    %dma_start3A_75 = arith.constant 0 : i32
    %dma_start3A_76 = tpu.memref_slice %arg8[%dma_start3A_74, %dma_start3A_75] : memref<512x16xf32, #tpu.memory_space<vmem>> -> memref<128x16xf32, #tpu.memory_space<vmem>>
    %dma_start3A_77 = arith.constant 0 : i32
    %dma_start3A_78 = tpu.memref_slice %arg7[%dma_start3A_73, %dma_start3A_77] : memref<4x128xi32, #tpu.memory_space<vmem>> -> memref<1x128xi32, #tpu.memory_space<vmem>>
    %dma_start3A_79 = tpu.memref_squeeze %dma_start3A_78 : memref<1x128xi32, #tpu.memory_space<vmem>> -> memref<128xi32, #tpu.memory_space<vmem>>
    %dma_start3A_80 = arith.constant 0 : i32
    %dma_start3A_81 = arith.constant 0 : i32
    %dma_start3A_82 = tpu.memref_slice %arg3[%dma_start3A_80, %dma_start3A_81] : memref<1000000x16xf32, #tpu.memory_space<hbm>> -> memref<1000000x16xf32, #tpu.memory_space<hbm>>
    tpu.enqueue_indirect_dma source(%dma_start3A_82 : memref<1000000x16xf32, #tpu.memory_space<hbm>>) target(%dma_start3A_76 : memref<128x16xf32, #tpu.memory_space<vmem>>) offsets(%dma_start3A_79 : memref<128xi32, #tpu.memory_space<vmem>>) semaphore(%arg10 : memref<!tpu.dma_semaphore, #tpu.memory_space<semaphore_mem>>)
    %dma_start3A_83 = arith.constant 3 : i32
    %dma_start3A_84 = arith.constant 384 : i32
    %dma_start3A_85 = arith.constant 0 : i32
    %dma_start3A_86 = tpu.memref_slice %arg9[%dma_start3A_84, %dma_start3A_85] : memref<512x16xf32, #tpu.memory_space<vmem>> -> memref<128x16xf32, #tpu.memory_space<vmem>>
    %dma_start3A_87 = arith.constant 0 : i32
    %dma_start3A_88 = tpu.memref_slice %arg7[%dma_start3A_83, %dma_start3A_87] : memref<4x128xi32, #tpu.memory_space<vmem>> -> memref<1x128xi32, #tpu.memory_space<vmem>>
    %dma_start3A_89 = tpu.memref_squeeze %dma_start3A_88 : memref<1x128xi32, #tpu.memory_space<vmem>> -> memref<128xi32, #tpu.memory_space<vmem>>
    %dma_start3A_90 = arith.constant 0 : i32
    %dma_start3A_91 = arith.constant 0 : i32
    %dma_start3A_92 = tpu.memref_slice %arg4[%dma_start3A_90, %dma_start3A_91] : memref<1000000x16xf32, #tpu.memory_space<hbm>> -> memref<1000000x16xf32, #tpu.memory_space<hbm>>
    tpu.enqueue_indirect_dma source(%dma_start3A_92 : memref<1000000x16xf32, #tpu.memory_space<hbm>>) target(%dma_start3A_86 : memref<128x16xf32, #tpu.memory_space<vmem>>) offsets(%dma_start3A_89 : memref<128xi32, #tpu.memory_space<vmem>>) semaphore(%arg11 : memref<!tpu.dma_semaphore, #tpu.memory_space<semaphore_mem>>)
    %dma_wait3A = arith.constant 0 : i32
    %dma_wait3A_93 = arith.constant 0 : i32
    %dma_wait3A_94 = arith.constant 0 : i32
    %dma_wait3A_95 = tpu.memref_slice %arg8[%dma_wait3A_93, %dma_wait3A_94] : memref<512x16xf32, #tpu.memory_space<vmem>> -> memref<128x16xf32, #tpu.memory_space<vmem>>
    %dma_wait3A_96 = arith.constant 0 : i32
    %dma_wait3A_97 = tpu.memref_slice %arg7[%dma_wait3A, %dma_wait3A_96] : memref<4x128xi32, #tpu.memory_space<vmem>> -> memref<1x128xi32, #tpu.memory_space<vmem>>
    %dma_wait3A_98 = tpu.memref_squeeze %dma_wait3A_97 : memref<1x128xi32, #tpu.memory_space<vmem>> -> memref<128xi32, #tpu.memory_space<vmem>>
    %dma_wait3A_99 = arith.constant 0 : i32
    %dma_wait3A_100 = arith.constant 0 : i32
    %dma_wait3A_101 = tpu.memref_slice %arg3[%dma_wait3A_99, %dma_wait3A_100] : memref<1000000x16xf32, #tpu.memory_space<hbm>> -> memref<1000000x16xf32, #tpu.memory_space<hbm>>
    tpu.wait_indirect_dma semaphore(%arg10 : memref<!tpu.dma_semaphore, #tpu.memory_space<semaphore_mem>>) src(%dma_wait3A_101 : memref<1000000x16xf32, #tpu.memory_space<hbm>>) dst(%dma_wait3A_95 : memref<128x16xf32, #tpu.memory_space<vmem>>)
    %dma_wait3A_102 = arith.constant 0 : i32
    %dma_wait3A_103 = arith.constant 0 : i32
    %dma_wait3A_104 = arith.constant 0 : i32
    %dma_wait3A_105 = tpu.memref_slice %arg9[%dma_wait3A_103, %dma_wait3A_104] : memref<512x16xf32, #tpu.memory_space<vmem>> -> memref<128x16xf32, #tpu.memory_space<vmem>>
    %dma_wait3A_106 = arith.constant 0 : i32
    %dma_wait3A_107 = tpu.memref_slice %arg7[%dma_wait3A_102, %dma_wait3A_106] : memref<4x128xi32, #tpu.memory_space<vmem>> -> memref<1x128xi32, #tpu.memory_space<vmem>>
    %dma_wait3A_108 = tpu.memref_squeeze %dma_wait3A_107 : memref<1x128xi32, #tpu.memory_space<vmem>> -> memref<128xi32, #tpu.memory_space<vmem>>
    %dma_wait3A_109 = arith.constant 0 : i32
    %dma_wait3A_110 = arith.constant 0 : i32
    %dma_wait3A_111 = tpu.memref_slice %arg4[%dma_wait3A_109, %dma_wait3A_110] : memref<1000000x16xf32, #tpu.memory_space<hbm>> -> memref<1000000x16xf32, #tpu.memory_space<hbm>>
    tpu.wait_indirect_dma semaphore(%arg11 : memref<!tpu.dma_semaphore, #tpu.memory_space<semaphore_mem>>) src(%dma_wait3A_111 : memref<1000000x16xf32, #tpu.memory_space<hbm>>) dst(%dma_wait3A_105 : memref<128x16xf32, #tpu.memory_space<vmem>>)
    %dma_wait3A_112 = arith.constant 1 : i32
    %dma_wait3A_113 = arith.constant 128 : i32
    %dma_wait3A_114 = arith.constant 0 : i32
    %dma_wait3A_115 = tpu.memref_slice %arg8[%dma_wait3A_113, %dma_wait3A_114] : memref<512x16xf32, #tpu.memory_space<vmem>> -> memref<128x16xf32, #tpu.memory_space<vmem>>
    %dma_wait3A_116 = arith.constant 0 : i32
    %dma_wait3A_117 = tpu.memref_slice %arg7[%dma_wait3A_112, %dma_wait3A_116] : memref<4x128xi32, #tpu.memory_space<vmem>> -> memref<1x128xi32, #tpu.memory_space<vmem>>
    %dma_wait3A_118 = tpu.memref_squeeze %dma_wait3A_117 : memref<1x128xi32, #tpu.memory_space<vmem>> -> memref<128xi32, #tpu.memory_space<vmem>>
    %dma_wait3A_119 = arith.constant 0 : i32
    %dma_wait3A_120 = arith.constant 0 : i32
    %dma_wait3A_121 = tpu.memref_slice %arg3[%dma_wait3A_119, %dma_wait3A_120] : memref<1000000x16xf32, #tpu.memory_space<hbm>> -> memref<1000000x16xf32, #tpu.memory_space<hbm>>
    tpu.wait_indirect_dma semaphore(%arg10 : memref<!tpu.dma_semaphore, #tpu.memory_space<semaphore_mem>>) src(%dma_wait3A_121 : memref<1000000x16xf32, #tpu.memory_space<hbm>>) dst(%dma_wait3A_115 : memref<128x16xf32, #tpu.memory_space<vmem>>)
    %dma_wait3A_122 = arith.constant 1 : i32
    %dma_wait3A_123 = arith.constant 128 : i32
    %dma_wait3A_124 = arith.constant 0 : i32
    %dma_wait3A_125 = tpu.memref_slice %arg9[%dma_wait3A_123, %dma_wait3A_124] : memref<512x16xf32, #tpu.memory_space<vmem>> -> memref<128x16xf32, #tpu.memory_space<vmem>>
    %dma_wait3A_126 = arith.constant 0 : i32
    %dma_wait3A_127 = tpu.memref_slice %arg7[%dma_wait3A_122, %dma_wait3A_126] : memref<4x128xi32, #tpu.memory_space<vmem>> -> memref<1x128xi32, #tpu.memory_space<vmem>>
    %dma_wait3A_128 = tpu.memref_squeeze %dma_wait3A_127 : memref<1x128xi32, #tpu.memory_space<vmem>> -> memref<128xi32, #tpu.memory_space<vmem>>
    %dma_wait3A_129 = arith.constant 0 : i32
    %dma_wait3A_130 = arith.constant 0 : i32
    %dma_wait3A_131 = tpu.memref_slice %arg4[%dma_wait3A_129, %dma_wait3A_130] : memref<1000000x16xf32, #tpu.memory_space<hbm>> -> memref<1000000x16xf32, #tpu.memory_space<hbm>>
    tpu.wait_indirect_dma semaphore(%arg11 : memref<!tpu.dma_semaphore, #tpu.memory_space<semaphore_mem>>) src(%dma_wait3A_131 : memref<1000000x16xf32, #tpu.memory_space<hbm>>) dst(%dma_wait3A_125 : memref<128x16xf32, #tpu.memory_space<vmem>>)
    %dma_wait3A_132 = arith.constant 2 : i32
    %dma_wait3A_133 = arith.constant 256 : i32
    %dma_wait3A_134 = arith.constant 0 : i32
    %dma_wait3A_135 = tpu.memref_slice %arg8[%dma_wait3A_133, %dma_wait3A_134] : memref<512x16xf32, #tpu.memory_space<vmem>> -> memref<128x16xf32, #tpu.memory_space<vmem>>
    %dma_wait3A_136 = arith.constant 0 : i32
    %dma_wait3A_137 = tpu.memref_slice %arg7[%dma_wait3A_132, %dma_wait3A_136] : memref<4x128xi32, #tpu.memory_space<vmem>> -> memref<1x128xi32, #tpu.memory_space<vmem>>
    %dma_wait3A_138 = tpu.memref_squeeze %dma_wait3A_137 : memref<1x128xi32, #tpu.memory_space<vmem>> -> memref<128xi32, #tpu.memory_space<vmem>>
    %dma_wait3A_139 = arith.constant 0 : i32
    %dma_wait3A_140 = arith.constant 0 : i32
    %dma_wait3A_141 = tpu.memref_slice %arg3[%dma_wait3A_139, %dma_wait3A_140] : memref<1000000x16xf32, #tpu.memory_space<hbm>> -> memref<1000000x16xf32, #tpu.memory_space<hbm>>
    tpu.wait_indirect_dma semaphore(%arg10 : memref<!tpu.dma_semaphore, #tpu.memory_space<semaphore_mem>>) src(%dma_wait3A_141 : memref<1000000x16xf32, #tpu.memory_space<hbm>>) dst(%dma_wait3A_135 : memref<128x16xf32, #tpu.memory_space<vmem>>)
    %dma_wait3A_142 = arith.constant 2 : i32
    %dma_wait3A_143 = arith.constant 256 : i32
    %dma_wait3A_144 = arith.constant 0 : i32
    %dma_wait3A_145 = tpu.memref_slice %arg9[%dma_wait3A_143, %dma_wait3A_144] : memref<512x16xf32, #tpu.memory_space<vmem>> -> memref<128x16xf32, #tpu.memory_space<vmem>>
    %dma_wait3A_146 = arith.constant 0 : i32
    %dma_wait3A_147 = tpu.memref_slice %arg7[%dma_wait3A_142, %dma_wait3A_146] : memref<4x128xi32, #tpu.memory_space<vmem>> -> memref<1x128xi32, #tpu.memory_space<vmem>>
    %dma_wait3A_148 = tpu.memref_squeeze %dma_wait3A_147 : memref<1x128xi32, #tpu.memory_space<vmem>> -> memref<128xi32, #tpu.memory_space<vmem>>
    %dma_wait3A_149 = arith.constant 0 : i32
    %dma_wait3A_150 = arith.constant 0 : i32
    %dma_wait3A_151 = tpu.memref_slice %arg4[%dma_wait3A_149, %dma_wait3A_150] : memref<1000000x16xf32, #tpu.memory_space<hbm>> -> memref<1000000x16xf32, #tpu.memory_space<hbm>>
    tpu.wait_indirect_dma semaphore(%arg11 : memref<!tpu.dma_semaphore, #tpu.memory_space<semaphore_mem>>) src(%dma_wait3A_151 : memref<1000000x16xf32, #tpu.memory_space<hbm>>) dst(%dma_wait3A_145 : memref<128x16xf32, #tpu.memory_space<vmem>>)
    %dma_wait3A_152 = arith.constant 3 : i32
    %dma_wait3A_153 = arith.constant 384 : i32
    %dma_wait3A_154 = arith.constant 0 : i32
    %dma_wait3A_155 = tpu.memref_slice %arg8[%dma_wait3A_153, %dma_wait3A_154] : memref<512x16xf32, #tpu.memory_space<vmem>> -> memref<128x16xf32, #tpu.memory_space<vmem>>
    %dma_wait3A_156 = arith.constant 0 : i32
    %dma_wait3A_157 = tpu.memref_slice %arg7[%dma_wait3A_152, %dma_wait3A_156] : memref<4x128xi32, #tpu.memory_space<vmem>> -> memref<1x128xi32, #tpu.memory_space<vmem>>
    %dma_wait3A_158 = tpu.memref_squeeze %dma_wait3A_157 : memref<1x128xi32, #tpu.memory_space<vmem>> -> memref<128xi32, #tpu.memory_space<vmem>>
    %dma_wait3A_159 = arith.constant 0 : i32
    %dma_wait3A_160 = arith.constant 0 : i32
    %dma_wait3A_161 = tpu.memref_slice %arg3[%dma_wait3A_159, %dma_wait3A_160] : memref<1000000x16xf32, #tpu.memory_space<hbm>> -> memref<1000000x16xf32, #tpu.memory_space<hbm>>
    tpu.wait_indirect_dma semaphore(%arg10 : memref<!tpu.dma_semaphore, #tpu.memory_space<semaphore_mem>>) src(%dma_wait3A_161 : memref<1000000x16xf32, #tpu.memory_space<hbm>>) dst(%dma_wait3A_155 : memref<128x16xf32, #tpu.memory_space<vmem>>)
    %dma_wait3A_162 = arith.constant 3 : i32
    %dma_wait3A_163 = arith.constant 384 : i32
    %dma_wait3A_164 = arith.constant 0 : i32
    %dma_wait3A_165 = tpu.memref_slice %arg9[%dma_wait3A_163, %dma_wait3A_164] : memref<512x16xf32, #tpu.memory_space<vmem>> -> memref<128x16xf32, #tpu.memory_space<vmem>>
    %dma_wait3A_166 = arith.constant 0 : i32
    %dma_wait3A_167 = tpu.memref_slice %arg7[%dma_wait3A_162, %dma_wait3A_166] : memref<4x128xi32, #tpu.memory_space<vmem>> -> memref<1x128xi32, #tpu.memory_space<vmem>>
    %dma_wait3A_168 = tpu.memref_squeeze %dma_wait3A_167 : memref<1x128xi32, #tpu.memory_space<vmem>> -> memref<128xi32, #tpu.memory_space<vmem>>
    %dma_wait3A_169 = arith.constant 0 : i32
    %dma_wait3A_170 = arith.constant 0 : i32
    %dma_wait3A_171 = tpu.memref_slice %arg4[%dma_wait3A_169, %dma_wait3A_170] : memref<1000000x16xf32, #tpu.memory_space<hbm>> -> memref<1000000x16xf32, #tpu.memory_space<hbm>>
    tpu.wait_indirect_dma semaphore(%arg11 : memref<!tpu.dma_semaphore, #tpu.memory_space<semaphore_mem>>) src(%dma_wait3A_171 : memref<1000000x16xf32, #tpu.memory_space<hbm>>) dst(%dma_wait3A_165 : memref<128x16xf32, #tpu.memory_space<vmem>>)
    "tpu.region"() ({
      %run_scoped3A_172 = tpu.sem_alloc : memref<!tpu.dma_semaphore, #tpu.memory_space<semaphore_mem>>
      %dma_start3A_173 = arith.constant 0 : i32
      %dma_start3A_174 = tpu.memref_slice %arg5[%mul3A_2, %dma_start3A_173] : memref<16384x16xf32, #tpu.memory_space<hbm>> -> memref<512x16xf32, #tpu.memory_space<hbm>>
      %dma_start3A_175 = arith.constant 0 : i32
      %dma_start3A_176 = tpu.memref_slice %arg5[%mul3A_2, %dma_start3A_175] : memref<16384x16xf32, #tpu.memory_space<hbm>> -> memref<512x16xf32, #tpu.memory_space<hbm>>
      tpu.enqueue_dma source(%arg8 : memref<512x16xf32, #tpu.memory_space<vmem>>) target(%dma_start3A_176 : memref<512x16xf32, #tpu.memory_space<hbm>>) target_semaphore(%run_scoped3A_172 : memref<!tpu.dma_semaphore, #tpu.memory_space<semaphore_mem>>)
      %dma_wait3A_177 = arith.constant 0 : i32
      %dma_wait3A_178 = tpu.memref_slice %arg5[%mul3A_2, %dma_wait3A_177] : memref<16384x16xf32, #tpu.memory_space<hbm>> -> memref<512x16xf32, #tpu.memory_space<hbm>>
      %dma_wait3A_179 = arith.constant 0 : i32
      %dma_wait3A_180 = tpu.memref_slice %arg5[%mul3A_2, %dma_wait3A_179] : memref<16384x16xf32, #tpu.memory_space<hbm>> -> memref<512x16xf32, #tpu.memory_space<hbm>>
      tpu.wait_dma2 semaphore(%run_scoped3A_172 : memref<!tpu.dma_semaphore, #tpu.memory_space<semaphore_mem>>) src(%arg8 : memref<512x16xf32, #tpu.memory_space<vmem>>) dst(%dma_wait3A_180 : memref<512x16xf32, #tpu.memory_space<hbm>>)
      tpu.yield
    }) : () -> ()
    "tpu.region"() ({
      %run_scoped3A_172 = tpu.sem_alloc : memref<!tpu.dma_semaphore, #tpu.memory_space<semaphore_mem>>
      %dma_start3A_173 = arith.constant 0 : i32
      %dma_start3A_174 = tpu.memref_slice %arg6[%mul3A_2, %dma_start3A_173] : memref<16384x16xf32, #tpu.memory_space<hbm>> -> memref<512x16xf32, #tpu.memory_space<hbm>>
      %dma_start3A_175 = arith.constant 0 : i32
      %dma_start3A_176 = tpu.memref_slice %arg6[%mul3A_2, %dma_start3A_175] : memref<16384x16xf32, #tpu.memory_space<hbm>> -> memref<512x16xf32, #tpu.memory_space<hbm>>
      tpu.enqueue_dma source(%arg9 : memref<512x16xf32, #tpu.memory_space<vmem>>) target(%dma_start3A_176 : memref<512x16xf32, #tpu.memory_space<hbm>>) target_semaphore(%run_scoped3A_172 : memref<!tpu.dma_semaphore, #tpu.memory_space<semaphore_mem>>)
      %dma_wait3A_177 = arith.constant 0 : i32
      %dma_wait3A_178 = tpu.memref_slice %arg6[%mul3A_2, %dma_wait3A_177] : memref<16384x16xf32, #tpu.memory_space<hbm>> -> memref<512x16xf32, #tpu.memory_space<hbm>>
      %dma_wait3A_179 = arith.constant 0 : i32
      %dma_wait3A_180 = tpu.memref_slice %arg6[%mul3A_2, %dma_wait3A_179] : memref<16384x16xf32, #tpu.memory_space<hbm>> -> memref<512x16xf32, #tpu.memory_space<hbm>>
      tpu.wait_dma2 semaphore(%run_scoped3A_172 : memref<!tpu.dma_semaphore, #tpu.memory_space<semaphore_mem>>) src(%arg9 : memref<512x16xf32, #tpu.memory_space<vmem>>) dst(%dma_wait3A_180 : memref<512x16xf32, #tpu.memory_space<hbm>>)
      tpu.yield
    }) : () -> ()
    return
  }
}

module attributes {stable_mosaic.version = 14 : i64} {
  func.func @_interleave_body(%arg0: i32, %arg1: memref<2048x16xf32, #tpu.memory_space<vmem>>, %arg2: memref<2048x16xf32, #tpu.memory_space<vmem>>, %arg3: memref<2048x32xf32, #tpu.memory_space<vmem>>) attributes {dimension_semantics = [#tpu.dimension_semantics<arbitrary>], iteration_bounds = array<i64: 8>, scalar_prefetch = 0 : i64, scratch_operands = 0 : i64, tpu.core_type = #tpu.core_type<tc>, window_params = [{transform_indices = @transform_0, window_bounds = array<i64: 2048, 16>}, {transform_indices = @transform_1, window_bounds = array<i64: 2048, 16>}, {transform_indices = @transform_2, window_bounds = array<i64: 2048, 32>}]} {
    %get3A = arith.constant 0 : index
    %get3A_0 = arith.constant 0 : index
    %get3A_1 = vector.load %arg1[%get3A, %get3A_0] : memref<2048x16xf32, #tpu.memory_space<vmem>>, vector<2048x16xf32>
    %get3A_2 = arith.constant 0 : index
    %get3A_3 = arith.constant 0 : index
    %get3A_4 = vector.load %arg2[%get3A_2, %get3A_3] : memref<2048x16xf32, #tpu.memory_space<vmem>>, vector<2048x16xf32>
    %stack3A = vector.shape_cast %get3A_1 : vector<2048x16xf32> to vector<2048x16x1xf32>
    %stack3A_5 = vector.shape_cast %get3A_4 : vector<2048x16xf32> to vector<2048x16x1xf32>
    %stack3A_6 = tpu.concatenate %stack3A, %stack3A_5 in 2 : vector<2048x16x1xf32>, vector<2048x16x1xf32> -> vector<2048x16x2xf32>
    %reshape3A = vector.shape_cast %stack3A_6 : vector<2048x16x2xf32> to vector<2048x32xf32>
    %swap3A = arith.constant 0 : index
    %swap3A_7 = arith.constant 0 : index
    %swap3A_8 = vector.load %arg3[%swap3A, %swap3A_7] : memref<2048x32xf32, #tpu.memory_space<vmem>>, vector<2048x32xf32>
    tpu.vector_store %arg3[%swap3A, %swap3A_7], %reshape3A {strides = array<i32>} : memref<2048x32xf32, #tpu.memory_space<vmem>>, vector<2048x32xf32>,
    return
  }
  func.func @transform_0(%arg0: i32) -> (i32, i32) {
    %c0_i32 = arith.constant 0 : i32
    %c0_i32_0 = arith.constant 0 : i32
    return %arg0, %c0_i32 : i32, i32
  }
  func.func @transform_1(%arg0: i32) -> (i32, i32) {
    %c0_i32 = arith.constant 0 : i32
    %c0_i32_0 = arith.constant 0 : i32
    return %arg0, %c0_i32 : i32, i32
  }
  func.func @transform_2(%arg0: i32) -> (i32, i32) {
    %c0_i32 = arith.constant 0 : i32
    %c0_i32_0 = arith.constant 0 : i32
    return %arg0, %c0_i32 : i32, i32
  }
}

</mosaic_0001>

<sc_bundles>
// kernel: kernel.4.cloned.1.call-start
scs
__scs_entry_jumppad:
0x0: {  	(pc) =	sbr.rel $0x88, $3  }
0x1: {  	(tag) =	ssettag $0x0;
	lr =	simm.s32 $0x1  }
0x2: {  	[smem:$0x3F9E] =	sst lr;
	_ =	strace $0xD0000000  }
0x3: {  	_ = 	snop  }
0x4: {  	_ = 	snop  }
0x5: {  	_ = 	snop  }
0x6: {  	_ = 	snop  }
0x7: {  	_ = 	snop  }
__scs_overlays_trampoline_lowered:
0x8: {  	[smem:$0x3FAD] =	sst s0  }
0x9: {  	[smem:$0x3FAE] =	sst s1  }
0xa: {  	[smem:$0x3FAF] =	sst s2  }
0xb: {  	[smem:$0x3FB0] =	sst s3  }
0xc: {  	[smem:$0x3FB1] =	sst s4  }
0xd: {  	[smem:$0x3FB2] =	sst s5  }
0xe: {  	[smem:$0x3FB3] =	sst s6  }
0xf: {  	[smem:$0x3FB4] =	sst s7  }
0x10: {  	[smem:$0x3FB5] =	sst s8  }
0x11: {  	[smem:$0x3FB6] =	sst s9;
	s0 =	simm.s32 @!p0 $0x0  }
0x12: {  	s1 =	sld [smem:$0x3F9C];
	s0 =	simm.s32 @p0 $0x1  }
0x13: {  	[smem:$0x3FB7] =	sst s0;
	s0 =	simm.s32 @!p1 $0x0  }
0x14: {  	s2 =	sld [smem:$0x3F9B];
	s0 =	simm.s32 @p1 $0x1  }
0x15: {  	[smem:$0x3FB8] =	sst s0;
	s0 =	simm.s32 @!p2 $0x0  }
0x16: {  	s3 =	sld [smem:$0x3FDB];
	s0 =	simm.s32 @p2 $0x1  }
0x17: {  	s4 =	simm.s32 $0x1BF5;
	[smem:$0x3FBA] =	sst s0  }
0x18: {  	s0 =	sld [smem:$0x3F9D];
	_ =	swait.ge [sflag:s4], $0x0  }
0x19: {  	s7 =	sld [smem:$0x3F9E]  }
0x1a: {  	s8 =	sadd.s32 $0xFFFFE003, lr  }
0x1b: {  	s9 =	sadd.s32 $0xFFFFFEF7, lr;
	s5 =	simm.s32 $0xFFFFFFFF;
	p2 =	slt.u32 s8, $0xFFFFF086  }
0x1c: {  	p1 =	slt.u32 s9, $0xF7A;
	s5 =	simm.s32 @!p2 $0x0  }
0x1d: {  	s5 =	simm.s32 @p1 $0x1;
	p0 =	seq.s32 s7, s2  }
0x1e: {  	s7 =	smul.u32 @!p0 $0xF7A, s2;
	p2 =	seq.s32 @!p0 s5, $0x0  }
0x1f: {  	s9 =	smul.u32 $0xF7A, s1;
	s8 =	simm.s32 @!p0 $0x1BF5;
	p2 =	por !p2, p0  }
0x20: {  	[sflag:s8] =	ssyncset.s32 @!p0 $0xFFFFF086;
	s6 =	sadd.s32 @!p0 s3, s7;
	s7 =	simm.s32 @!p0 $0x108  }
0x21: {  	s3 =	sadd.s32 s3, s9;
	s6 =	sadd.s32 @!p0 $0x88, s6;
	s7 =	simm.s32 @p2 $0x1082  }
0x22: {  	[simem:s7], [sflag:s8] =	dma.local @!p0 [hbm:s6], $0xF7A  }
0x23: {  	s9 =	sor.u32 $0xD0000000, s2;
	s6 =	simm.s32 $0x108;
	_ =	swait.ge @!p0 [sflag:s8], $0x0  }
0x24: {  	s3 =	sadd.s32 $0x88, s3;
	s6 =	simm.s32 @!p1 $0x1082;
	[sflag:s4] =	ssyncset.s32 $0xFFFFF086  }
0x25: {  	[simem:s6], [sflag:s4] =	dma.local [hbm:s3], $0xF7A  }
0x26: {  	[smem:$0x3F9E] =	sst s1;
	(tag) =	ssettag s2;
	_ =	strace s9  }
0x27: {  	s1 =	sld [smem:$0x3FAE]  }
0x28: {  	s2 =	sld [smem:$0x3FAF]  }
0x29: {  	s4 =	sld [smem:$0x3FB1]  }
0x2a: {  	p0 =	seq.s32 s5, $0x0;
	s5 =	sld [smem:$0x3FB2]  }
0x2b: {  	s6 =	sld [smem:$0x3FB3]  }
0x2c: {  	s7 =	sld [smem:$0x3FB4]  }
0x2d: {  	s3 =	simm.s32 $0x108;
	s8 =	sld [smem:$0x3FB5]  }
0x2e: {  	s3 =	simm.s32 @!p0 $0x1082;
	s9 =	sld [smem:$0x3FB6]  }
0x2f: {  	lr =	sadd.s32 s0, s3;
	s0 =	sld [smem:$0x3FAD]  }
0x30: {  	s3 =	sld [smem:$0x3FB0]  }
0x31: {  	[smem:$0x3FB9] =	sst s10  }
0x32: {  	s10 =	sld [smem:$0x3FB7];
	_ =	sdelay $0x3  }
0x33: {  	p0 =	seq.s32 s10, $0x1;
	s10 =	sld [smem:$0x3FB9];
	_ =	sdelay $0x3  }
0x34: {  	[smem:$0x3FB9] =	sst s10  }
0x35: {  	s10 =	sld [smem:$0x3FB8];
	_ =	sdelay $0x3  }
0x36: {  	p1 =	seq.s32 s10, $0x1;
	s10 =	sld [smem:$0x3FB9];
	_ =	sdelay $0x3  }
0x37: {  	[smem:$0x3FB9] =	sst s10  }
0x38: {  	s10 =	sld [smem:$0x3FBA]  }
0x39: {  	_ = 	snop;
	(pc) =	sbr.ind lr, $3  }
0x3a: {  	_ = 	snop  }
0x3b: {  	_ = 	snop  }
0x3c: {  	p2 =	seq.s32 s10, $0x1;
	s10 =	sld [smem:$0x3FB9]  }
0x3d: {  	_ =	shalt  }
0x3e: {  	_ =	shalt  }
0x3f: {  	_ =	shalt  }
0x40: {  	_ =	shalt  }
0x41: {  	_ =	shalt  }
0x42: {  	_ =	shalt  }
0x43: {  	_ =	shalt  }
0x44: {  	_ =	shalt  }
0x45: {  	_ =	shalt  }
0x46: {  	_ =	shalt  }
0x47: {  	_ =	shalt  }
0x48: {  	_ =	shalt  }
0x49: {  	_ =	shalt  }
0x4a: {  	_ =	shalt  }
0x4b: {  	_ =	shalt  }
0x4c: {  	_ =	shalt  }
0x4d: {  	_ =	shalt  }
0x4e: {  	_ =	shalt  }
0x4f: {  	_ =	shalt  }
0x50: {  	_ =	shalt  }
0x51: {  	_ =	shalt  }
0x52: {  	_ =	shalt  }
0x53: {  	_ =	shalt  }
0x54: {  	_ =	shalt  }
0x55: {  	_ =	shalt  }
0x56: {  	_ =	shalt  }
0x57: {  	_ =	shalt  }
0x58: {  	_ =	shalt  }
0x59: {  	_ =	shalt  }
0x5a: {  	_ =	shalt  }
0x5b: {  	_ =	shalt  }
0x5c: {  	_ =	shalt  }
0x5d: {  	_ =	shalt  }
0x5e: {  	_ =	shalt  }
0x5f: {  	_ =	shalt  }
0x60: {  	_ =	shalt  }
0x61: {  	_ =	shalt  }
0x62: {  	_ =	shalt  }
0x63: {  	_ =	shalt  }
0x64: {  	_ =	shalt  }
0x65: {  	_ =	shalt  }
0x66: {  	_ =	shalt  }
0x67: {  	_ =	shalt  }
0x68: {  	_ =	shalt  }
0x69: {  	_ =	shalt  }
0x6a: {  	_ =	shalt  }
0x6b: {  	_ =	shalt  }
0x6c: {  	_ =	shalt  }
0x6d: {  	_ =	shalt  }
0x6e: {  	_ =	shalt  }
0x6f: {  	_ =	shalt  }
0x70: {  	_ =	shalt  }
0x71: {  	_ =	shalt  }
0x72: {  	_ =	shalt  }
0x73: {  	_ =	shalt  }
0x74: {  	_ =	shalt  }
0x75: {  	_ =	shalt  }
0x76: {  	_ =	shalt  }
0x77: {  	_ =	shalt  }
0x78: {  	_ =	shalt  }
0x79: {  	_ =	shalt  }
0x7a: {  	_ =	shalt  }
0x7b: {  	_ =	shalt  }
0x7c: {  	_ =	shalt  }
0x7d: {  	_ =	shalt  }
0x7e: {  	_ =	shalt  }
0x7f: {  	_ =	shalt  }
0x80: {  	_ =	shalt  }
0x81: {  	_ =	shalt  }
0x82: {  	_ =	shalt  }
0x83: {  	_ =	shalt  }
0x84: {  	_ =	shalt  }
0x85: {  	_ =	shalt  }
0x86: {  	_ =	shalt  }
0x87: {  	_ =	shalt  }
.Lfunc_end0:
.L_simem_size_0:
called_computation_lowered:
.L_overlay_start_0:
0x88: {  	s2 =	sld [smem:$0x3FD9]  }
0x89: {  	s3 =	sld [smem:$0x3FFE];
	_ =	sdelay $0x1  }
0x8a: {  	s1 =	srdreg.scid  }
0x8b: {  	s0 =	sand.u32 $0x1, s1  }
0x8c: {  	s17 =	sshll.u32 s0, $0xA;
	s2 =	sadd.s32 s3, s2  }
0x8d: {  	s2 =	sadd.s32 s2, s17  }
0x8e: {  	[smem:$0x3FC5] =	sst s2  }
0x8f: {  	_ = 	snop  }
0x90: {  	s2 =	sld [smem:$0x3FC9]  }
0x91: {  	s18 =	sld [smem:$0x3FD0];
	(tm) =	ssettm $0x1  }
0x92: {  	s4 =	sld [smem:$0x3FFB];
	_ =	sdelay $0x3  }
0x93: {  	_ =	strace s4  }
0x94: {  	s4 =	sld [smem:$0x3FFC];
	_ =	sdelay $0x3  }
0x95: {  	_ =	strace s4  }
0x96: {  	s4 =	sld [smem:$0x3FFD];
	_ =	sdelay $0x3  }
0x97: {  	_ =	strace s4  }
0x98: {  	_ =	strace $0x8FFFFFFF  }
0x99: {  	s19 =	sld [smem:$0x3FDB];
	_ =	sdelay $0x1  }
0x9a: {  	s5 =	simm.s32 $_scs_section_size  }
0x9b: {  	s6 =	simm.s32 $_size__tile_overlayer_lowered;
	s7 =	simm.s32 $_tile_overlayer_lowered  }
0x9c: {  	s22 =	simm.s32 $0x1BFF;
	s21 =	sshll.u32 s7, $0x1;
	s4 =	sadd.s32 s5, s19  }
0x9d: {  	s8 =	simm.s32 $0x0;
	s20 =	sshll.u32 s6, $0x1;
	s6 =	sadd.s32 s21, s4  }
0x9e: {  	[timem:s8], [sflag:s22] =	dma.local [hbm:s6], s20  }
0x9f: {  	_ =	swait.ge [sflag:s22], s20  }
0xa0: {  	s5 =	ssub.s32 $0x0, s20;
	[sflag:s22] =	ssyncset.done $0x0  }
0xa1: {  	[sflag:s22] =	ssyncadd.s32 s5;
	_ =	sdelay $0x1  }
0xa2: {  	s23 =	simm.s32 $0x1B8B  }
0xa3: {  	_ =	swait.ge [sflag:s23], $0x1  }
0xa4: {  	[sflag:s23] =	ssyncset.done $0x0  }
0xa5: {  	s25 =	simm.s32 $0x1B8E;
	s24 =	sld [smem:$0x3FFE];
	[sflag:s23] =	ssyncadd.s32 $0xFFFFFFFF  }
0xa6: {  	s26 =	simm.s32 $execute0_lowered;
	[smem:$0x3FD2] =	sst s25  }
0xa7: {  	s6 =	sshll.u32 s26, $0x1;
	_ =	strace $0x80000046;
	[dreg:$0x1] =	wrdreg $0xFFFFFFFF  }
0xa8: {  	s28 =	simm.s32 $_size_execute0_lowered;
	s4 =	sadd.s32 s4, s6;
	[dreg:$0x0] =	wrdreg $0x0  }
0xa9: {  	s6 =	sshll.u32 s28, $0x1;
	[dreg:$0x2] =	wrdreg s4  }
0xaa: {  	[dreg:$0x3] =	wrdreg s6  }
0xab: {  	[dreg:$0x4] =	wrdreg $0xC0  }
0xac: {  	_ =	task [dreg:s8], $0x5FFFF  }
0xad: {  	[dreg:$0x1] =	wrdreg $0xFFFFFFFF  }
0xae: {  	[dreg:$0x0] =	wrdreg $0x60  }
0xaf: {  	[dreg:$0x2] =	wrdreg s2  }
0xb0: {  	[dreg:$0x3] =	wrdreg s24  }
0xb1: {  	[dreg:$0x4] =	wrdreg s18  }
0xb2: {  	[dreg:$0x5] =	wrdreg $0x9  }
0xb3: {  	_ =	task.clear_ibuf [dreg:s8], $0x6FFFF;
	_ =	strace $0x90000046  }
0xb4: {  	s29 =	simm.s32 $0x9;
	_ =	strace $0x80000048  }
0xb5: {  	_ =	swait.ge [sflag:s29], $0x1  }
0xb6: {  	[sflag:s29] =	ssyncadd.s32 $0xFFFFFFFF  }
0xb7: {  	_ =	strace $0x90000048  }
0xb8: {  	_ =	sfence  }
0xb9: {  	s30 =	sld [smem:$0x0];
	_ =	sdelay $0x2  }
0xba: {  	s31 =	sshll.u32 s1, $0xD;
	s1 =	sshrl.u32 s1, $0x2  }
0xbb: {  	s3 =	sand.u32 $0x4000, s31;
	s1 =	sadd.s32 s1, s30  }
0xbc: {  	s0 =	sor.u32 s3, s0;
	s1 =	sshll.u32 s1, $0x11  }
0xbd: {  	s0 =	sor.u32 s1, s0  }
0xbe: {  	s0 =	sadd.s32 $0x8F2B, s0  }
0xbf: {  	[sflag:s0] =	ssyncadd.remote.s32 $0x1  }
0xc0: {  	_ =	sfence.sel $0xFFFF  }
0xc1: {  	[dreg:$0x0] =	wrdreg $0xFFFFFFFF;
	(pc) =	sbr.abs _section_cstart, $3  }
0xc2: {  	[dreg:$0x1] =	wrdreg $0xFFFFFFFF  }
0xc3: {  	_ =	task.clear_ibuf [dreg:s8], $0x2FFFF;
	_ =	strace $0x9FFFFFFF  }
0xc4: {  	(tm) =	ssettm $0x7FFFFFFF  }
0xc5: {  	_ =	shalt  }
tec
execute0_lowered:
.L_overlay_start_1:
0x0: {  	(tag) =	ssettag $0x1  }
0x1: {  	s3 =	rddreg [dreg:$0x0];
	s1 =	srdreg.scid  }
0x2: {  	s24 =	rddreg [dreg:$0x1];
	s0 =	stileid.u32;
	s25 =	sand.u32 $0x1, s1  }
0x3: {  	s23 =	rddreg [dreg:$0x2];
	s4 =	sshll.u32 s0, $0xA;
	s5 =	sshll.u32 s25, $0x9  }
0x4: {  	s2 =	simm.s32 $0x0;
	s1 =	rddreg [dreg:$0x3];
	s26 =	sor.u32 s5, s4  }
0x5: {  	[smem:$0x7FF] =	sst s2;
	s4 =	sshrl.u32 s26, $0x3  }
0x6: {  	_ =	strace $0x80000047;
	s4 =	sadd.s32 s3, s4;
	s3 =	simm.s32 $0x3  }
0x7: {  	[tilespmem:s2], [sflag:$0x3] =	stream.linear.gather [hbm4b:s4+s2], $0x80, $0x38;
	[tilespmem:$0x4200] =	vst v63  }
0x8: {  	_ =	swait.ge [sflag:s3], $0x80  }
0x9: {  	[sflag:s3] =	ssyncset.done $0x0  }
0xa: {  	s6 =	simm.s32 $0x80;
	s5 =	sadd.s32 $0x10, s4;
	[sflag:s3] =	ssyncadd.s32 $0xFFFFFF80  }
0xb: {  	[tilespmem:s6], [sflag:$0x3] =	stream.linear.gather [hbm4b:s5+s2], $0x80, $0x38;
	[tilespmem:$0x4200] =	vst v63  }
0xc: {  	_ =	swait.ge [sflag:s3], $0x80  }
0xd: {  	[sflag:s3] =	ssyncset.done $0x0  }
0xe: {  	s8 =	simm.s32 $0x100;
	s7 =	sadd.s32 $0x20, s4;
	[sflag:s3] =	ssyncadd.s32 $0xFFFFFF80  }
0xf: {  	[tilespmem:s8], [sflag:$0x3] =	stream.linear.gather [hbm4b:s7+s2], $0x80, $0x38;
	[tilespmem:$0x4200] =	vst v63  }
0x10: {  	_ =	swait.ge [sflag:s3], $0x80  }
0x11: {  	[sflag:s3] =	ssyncset.done $0x0  }
0x12: {  	s10 =	simm.s32 $0x180;
	s9 =	sadd.s32 $0x30, s4;
	[sflag:s3] =	ssyncadd.s32 $0xFFFFFF80  }
0x13: {  	[tilespmem:s10], [sflag:$0x3] =	stream.linear.gather [hbm4b:s9+s2], $0x80, $0x38;
	[tilespmem:$0x4200] =	vst v63  }
0x14: {  	_ =	swait.ge [sflag:s3], $0x80  }
0x15: {  	[sflag:s3] =	ssyncset.done $0x0  }
0x16: {  	s12 =	simm.s32 $0x200;
	s11 =	sadd.s32 $0xF42C00, s24;
	[sflag:s3] =	ssyncadd.s32 $0xFFFFFF80  }
0x17: {  	[tilespmem:s12], [sflag:$0x1] =	stream.indirect.gather [hbm4b:s11+s6], $0x10, s2, s6, $0xb8;
	[tilespmem:$0x4200] =	vst v63  }
0x18: {  	s14 =	simm.s32 $0x2200;
	s13 =	sadd.s32 $0x112B200, s24  }
0x19: {  	[tilespmem:s14], [sflag:$0x2] =	stream.indirect.gather [hbm4b:s13+s6], $0x10, s2, s6, $0xb8;
	[tilespmem:$0x4200] =	vst v63  }
0x1a: {  	s15 =	simm.s32 $0xA00  }
0x1b: {  	[tilespmem:s15], [sflag:$0x1] =	stream.indirect.gather [hbm4b:s11+s6], $0x10, s6, s6, $0xb8;
	[tilespmem:$0x4200] =	vst v63  }
0x1c: {  	s16 =	simm.s32 $0x2A00  }
0x1d: {  	[tilespmem:s16], [sflag:$0x2] =	stream.indirect.gather [hbm4b:s13+s6], $0x10, s6, s6, $0xb8;
	[tilespmem:$0x4200] =	vst v63  }
0x1e: {  	s17 =	simm.s32 $0x1200  }
0x1f: {  	[tilespmem:s17], [sflag:$0x1] =	stream.indirect.gather [hbm4b:s11+s6], $0x10, s8, s6, $0xb8;
	[tilespmem:$0x4200] =	vst v63  }
0x20: {  	s18 =	simm.s32 $0x3200  }
0x21: {  	[tilespmem:s18], [sflag:$0x2] =	stream.indirect.gather [hbm4b:s13+s6], $0x10, s8, s6, $0xb8;
	[tilespmem:$0x4200] =	vst v63  }
0x22: {  	s19 =	simm.s32 $0x1A00  }
0x23: {  	[tilespmem:s19], [sflag:$0x1] =	stream.indirect.gather [hbm4b:s11+s6], $0x10, s10, s6, $0xb8;
	[tilespmem:$0x4200] =	vst v63  }
0x24: {  	s20 =	simm.s32 $0x3A00;
	s21 =	simm.s32 $0x1  }
0x25: {  	[tilespmem:s20], [sflag:$0x2] =	stream.indirect.gather [hbm4b:s13+s6], $0x10, s10, s6, $0xb8;
	[tilespmem:$0x4200] =	vst v63  }
0x26: {  	_ =	swait.ge [sflag:s21], $0x800  }
0x27: {  	[sflag:s21] =	ssyncset.done $0x0  }
0x28: {  	s22 =	simm.s32 $0x2;
	[sflag:s21] =	ssyncadd.s32 $0xFFFFF800  }
0x29: {  	_ =	swait.ge [sflag:s22], $0x800  }
0x2a: {  	[sflag:s22] =	ssyncset.done $0x0  }
0x2b: {  	[sflag:s22] =	ssyncadd.s32 $0xFFFFF800  }
0x2c: {  	_ =	swait.ge [sflag:s21], $0x800  }
0x2d: {  	[sflag:s21] =	ssyncset.done $0x0  }
0x2e: {  	[sflag:s21] =	ssyncadd.s32 $0xFFFFF800  }
0x2f: {  	_ =	swait.ge [sflag:s22], $0x800  }
0x30: {  	[sflag:s22] =	ssyncset.done $0x0  }
0x31: {  	[sflag:s22] =	ssyncadd.s32 $0xFFFFF800  }
0x32: {  	_ =	swait.ge [sflag:s21], $0x800  }
0x33: {  	[sflag:s21] =	ssyncset.done $0x0  }
0x34: {  	[sflag:s21] =	ssyncadd.s32 $0xFFFFF800  }
0x35: {  	_ =	swait.ge [sflag:s22], $0x800  }
0x36: {  	[sflag:s22] =	ssyncset.done $0x0  }
0x37: {  	[sflag:s22] =	ssyncadd.s32 $0xFFFFF800  }
0x38: {  	_ =	swait.ge [sflag:s21], $0x800  }
0x39: {  	[sflag:s21] =	ssyncset.done $0x0  }
0x3a: {  	s25 =	ssub.s32 $0x2, s25;
	[sflag:s21] =	ssyncadd.s32 $0xFFFFF800  }
0x3b: {  	s28 =	sshrl.u32 s25, $0x1;
	_ =	swait.ge [sflag:s22], $0x800  }
0x3c: {  	s26 =	sshll.u32 s26, $0x1;
	s25 =	ssub.s32 s25, s28;
	[sflag:s22] =	ssyncset.done $0x0  }
0x3d: {  	s23 =	sadd.s32 s23, s26;
	s25 =	smax.u32 s25, $0x1;
	[sflag:s22] =	ssyncadd.s32 $0xFFFFF800  }
0x3e: {  	[hbm4b:s23+s2] =	stream.linear.scatter [tilespmem:s12], [sflag:$0x3], $0x2000, $0x38;
	[tilespmem:$0x4200] =	vst v63  }
0x3f: {  	p0 =	sne.s32 s25, $0x1;
	_ =	swait.ge [sflag:s3], $0x2000  }
.Ltmp0:
0x40: {  	s24 =	sadd.s32 s26, s24;
	[sflag:s3] =	ssyncset.done $0x0;
	(pc) =	sbr.rel @!p0 .LBB2_2-.Ltmp0, $4  }
0x41: {  	s24 =	sadd.s32 $0x800, s24;
	[sflag:s3] =	ssyncadd.s32 $0xFFFFE000  }
0x42: {  	[hbm4b:s24+s2] =	stream.linear.scatter [tilespmem:s14], [sflag:$0x3], $0x2000, $0x38;
	[tilespmem:$0x4200] =	vst v63  }
0x43: {  	_ =	swait.ge [sflag:s3], $0x2000  }
0x44: {  	s25 =	sadd.s32 $0xFFFFFFFF, s25;
	[sflag:s3] =	ssyncset.done $0x0  }
.LBB2_1:
0x45: {  	p0 =	sne.s32 s25, $0x1;
	s25 =	sadd.s32 $0xFFFFFFFF, s25;
	[sflag:s3] =	ssyncadd.s32 $0xFFFFE000  }
0x46: {  	[tilespmem:s2], [sflag:$0x3] =	stream.linear.gather [hbm4b:s4+s2], $0x80, $0x38;
	[tilespmem:$0x4200] =	vst v63  }
0x47: {  	_ =	swait.ge [sflag:s3], $0x80  }
0x48: {  	[sflag:s3] =	ssyncset.done $0x0  }
0x49: {  	[sflag:s3] =	ssyncadd.s32 $0xFFFFFF80  }
0x4a: {  	[tilespmem:s6], [sflag:$0x3] =	stream.linear.gather [hbm4b:s5+s2], $0x80, $0x38;
	[tilespmem:$0x4200] =	vst v63  }
0x4b: {  	_ =	swait.ge [sflag:s3], $0x80  }
0x4c: {  	[sflag:s3] =	ssyncset.done $0x0  }
0x4d: {  	[sflag:s3] =	ssyncadd.s32 $0xFFFFFF80  }
0x4e: {  	[tilespmem:s8], [sflag:$0x3] =	stream.linear.gather [hbm4b:s7+s2], $0x80, $0x38;
	[tilespmem:$0x4200] =	vst v63  }
0x4f: {  	_ =	swait.ge [sflag:s3], $0x80  }
0x50: {  	[sflag:s3] =	ssyncset.done $0x0  }
0x51: {  	[sflag:s3] =	ssyncadd.s32 $0xFFFFFF80  }
0x52: {  	[tilespmem:s10], [sflag:$0x3] =	stream.linear.gather [hbm4b:s9+s2], $0x80, $0x38;
	[tilespmem:$0x4200] =	vst v63  }
0x53: {  	_ =	swait.ge [sflag:s3], $0x80  }
0x54: {  	[sflag:s3] =	ssyncset.done $0x0  }
0x55: {  	[sflag:s3] =	ssyncadd.s32 $0xFFFFFF80  }
0x56: {  	[tilespmem:s12], [sflag:$0x1] =	stream.indirect.gather [hbm4b:s11+s6], $0x10, s2, s6, $0xb8;
	[tilespmem:$0x4200] =	vst v63  }
0x57: {  	_ = 	snop  }
0x58: {  	[tilespmem:s14], [sflag:$0x2] =	stream.indirect.gather [hbm4b:s13+s6], $0x10, s2, s6, $0xb8;
	[tilespmem:$0x4200] =	vst v63  }
0x59: {  	_ = 	snop  }
0x5a: {  	[tilespmem:s15], [sflag:$0x1] =	stream.indirect.gather [hbm4b:s11+s6], $0x10, s6, s6, $0xb8;
	[tilespmem:$0x4200] =	vst v63  }
0x5b: {  	_ = 	snop  }
0x5c: {  	[tilespmem:s16], [sflag:$0x2] =	stream.indirect.gather [hbm4b:s13+s6], $0x10, s6, s6, $0xb8;
	[tilespmem:$0x4200] =	vst v63  }
0x5d: {  	_ = 	snop  }
0x5e: {  	[tilespmem:s17], [sflag:$0x1] =	stream.indirect.gather [hbm4b:s11+s6], $0x10, s8, s6, $0xb8;
	[tilespmem:$0x4200] =	vst v63  }
0x5f: {  	_ = 	snop  }
0x60: {  	[tilespmem:s18], [sflag:$0x2] =	stream.indirect.gather [hbm4b:s13+s6], $0x10, s8, s6, $0xb8;
	[tilespmem:$0x4200] =	vst v63  }
0x61: {  	_ = 	snop  }
0x62: {  	[tilespmem:s19], [sflag:$0x1] =	stream.indirect.gather [hbm4b:s11+s6], $0x10, s10, s6, $0xb8;
	[tilespmem:$0x4200] =	vst v63  }
0x63: {  	_ = 	snop  }
0x64: {  	[tilespmem:s20], [sflag:$0x2] =	stream.indirect.gather [hbm4b:s13+s6], $0x10, s10, s6, $0xb8;
	[tilespmem:$0x4200] =	vst v63  }
0x65: {  	_ =	swait.ge [sflag:s21], $0x800  }
0x66: {  	[sflag:s21] =	ssyncset.done $0x0  }
0x67: {  	[sflag:s21] =	ssyncadd.s32 $0xFFFFF800  }
0x68: {  	_ =	swait.ge [sflag:s22], $0x800  }
0x69: {  	[sflag:s22] =	ssyncset.done $0x0  }
0x6a: {  	[sflag:s22] =	ssyncadd.s32 $0xFFFFF800  }
0x6b: {  	_ =	swait.ge [sflag:s21], $0x800  }
0x6c: {  	[sflag:s21] =	ssyncset.done $0x0  }
0x6d: {  	[sflag:s21] =	ssyncadd.s32 $0xFFFFF800  }
0x6e: {  	_ =	swait.ge [sflag:s22], $0x800  }
0x6f: {  	[sflag:s22] =	ssyncset.done $0x0  }
0x70: {  	[sflag:s22] =	ssyncadd.s32 $0xFFFFF800  }
0x71: {  	_ =	swait.ge [sflag:s21], $0x800  }
0x72: {  	[sflag:s21] =	ssyncset.done $0x0  }
0x73: {  	[sflag:s21] =	ssyncadd.s32 $0xFFFFF800  }
0x74: {  	_ =	swait.ge [sflag:s22], $0x800  }
0x75: {  	[sflag:s22] =	ssyncset.done $0x0  }
0x76: {  	[sflag:s22] =	ssyncadd.s32 $0xFFFFF800  }
0x77: {  	_ =	swait.ge [sflag:s21], $0x800  }
0x78: {  	[sflag:s21] =	ssyncset.done $0x0  }
0x79: {  	[sflag:s21] =	ssyncadd.s32 $0xFFFFF800  }
0x7a: {  	_ =	swait.ge [sflag:s22], $0x800  }
0x7b: {  	[sflag:s22] =	ssyncset.done $0x0  }
0x7c: {  	[sflag:s22] =	ssyncadd.s32 $0xFFFFF800  }
0x7d: {  	[hbm4b:s23+s2] =	stream.linear.scatter [tilespmem:s12], [sflag:$0x3], $0x2000, $0x38;
	[tilespmem:$0x4200] =	vst v63  }
0x7e: {  	_ =	swait.ge [sflag:s3], $0x2000  }
.Ltmp1:
0x7f: {  	[sflag:s3] =	ssyncset.done $0x0;
	(pc) =	sbr.rel @p0 .LBB2_1-.Ltmp1, $4  }
0x80: {  	[sflag:s3] =	ssyncadd.s32 $0xFFFFE000  }
0x81: {  	[hbm4b:s24+s2] =	stream.linear.scatter [tilespmem:s14], [sflag:$0x3], $0x2000, $0x38;
	[tilespmem:$0x4200] =	vst v63  }
0x82: {  	_ =	swait.ge [sflag:s3], $0x2000  }
0x83: {  	[sflag:s3] =	ssyncset.done $0x0  }
.LBB2_2:
0x84: {  	[sflag:s3] =	ssyncadd.s32 $0xFFFFE000  }
0x85: {  	_ =	sfence.sel $0x180000  }
0x86: {  	[bflag:$0x0] =	sbarrier.arrive $0xFFFF  }
0x87: {  	p0 =	sne.s32 s0, $0x0;
	_ =	strace $0x90000047  }
0x88: {  	s0 =	sadd.s32 @!p0 $0x100000, s1;
	[bflag:$0x2] =	sbarrier.arrive $0xFFFF  }
0x89: {  	[sflag:s0] =	ssyncadd.tile.s32 @!p0 $0x1;
	_ =	shalt  }
.Lfunc_end2:
_tile_overlayer_lowered:
.L_overlay_start_2:
0x8a: {  	(tag) =	ssettag $0x2  }
0x8b: {  	s0 =	rddreg [dreg:$0x0];
	s2 =	stileid.u32  }
0x8c: {  	s1 =	rddreg [dreg:$0x1];
	p0 =	sne.s32 s2, $0x0  }
0x8d: {  	s3 =	rddreg [dreg:$0x2];
	[bflag:$0x3] =	sbarrier.arrive $0xFFFF;
	s2 =	simm.s32 @!p0 $0x1C03  }
0x8e: {  	[timem:s3], [sflag:s2] =	dma.local @!p0 [hbm:s0], s1  }
0x8f: {  	s0 =	simm.s32 @!p0 $0x3  }
0x90: {  	_ =	swait.ge @!p0 [sflag:s0], s1  }
0x91: {  	s1 =	ssub.s32 @!p0 $0x0, s1;
	[sflag:s0] =	ssyncset.done @!p0 $0x0  }
0x92: {  	[sflag:s0] =	ssyncadd.s32 @!p0 s1  }
0x93: {  	[bflag:$0x3] =	sbarrier.arrive $0xFFFF  }
0x94: {  	_ =	shalt  }

</sc_bundles>
